<compile_context>
chip_gen: v7x
topology: tpu7x:2x2x1
jax: 0.10.2.dev20260603
libtpu: 0.0.44.dev20260713+nightly
codegen_flags: <defaults>
</compile_context>

<pallas_src>
import jax
import jax.numpy as jnp
from jax import lax
from jax.experimental import pallas as pl
from jax.experimental.pallas import tpu as pltpu
from jax.experimental.pallas import tpu_sc as plsc

VOCAB = 100000
EMB = 128
BATCH = 4096
SEQ = 50
HIDDEN = 64
OUT = 10

NUM_CORES = 2
NUM_SUBCORES = 16
NW = NUM_CORES * NUM_SUBCORES
ROWS_PER_W = BATCH // NW
LANES = 16
NCH = EMB // LANES


def _sc_body(xt_hbm, table_hbm, out_hbm, idx_v, acc, sem_x, sem):
  wid = lax.axis_index("s") * NUM_CORES + lax.axis_index("c")
  base = wid * ROWS_PER_W

  cp = pltpu.async_copy(xt_hbm.at[wid], idx_v, sem_x)

  zeros = jnp.zeros((LANES,), jnp.float32)

  def zero_body(r, _):
    for c in range(NCH):
      acc[r, pl.ds(c * LANES, LANES)] = zeros
    return 0

  lax.fori_loop(0, ROWS_PER_W, zero_body, 0)
  cp.wait()

  def fire(j, _):
    pltpu.async_copy(table_hbm.at[idx_v.at[j]], acc, sem, add=True)
    return 0

  lax.fori_loop(0, SEQ, fire, 0)

  def drain(j, _):
    pltpu.make_async_copy(table_hbm.at[idx_v.at[0]], acc, sem).wait()
    return 0

  lax.fori_loop(0, SEQ, drain, 0)

  pltpu.sync_copy(acc, out_hbm.at[pl.ds(base, ROWS_PER_W), :])


def _sc_gather_sum(xt, table):
  mesh = plsc.VectorSubcoreMesh(core_axis_name="c", subcore_axis_name="s")
  k = pl.kernel(
      _sc_body,
      out_type=jax.ShapeDtypeStruct((BATCH, EMB), jnp.float32),
      mesh=mesh,
      compiler_params=pltpu.CompilerParams(skip_device_barrier=True),
      scratch_types=[
          pltpu.VMEM((SEQ, ROWS_PER_W), jnp.int32),
          pltpu.VMEM((ROWS_PER_W, EMB), jnp.float32),
          pltpu.SemaphoreType.DMA,
          pltpu.SemaphoreType.DMA,
      ],
  )
  return k(xt, table)


def _mlp_body(sums_ref, len_ref, w1_ref, b1_ref, w2_ref, b2_ref, out_ref):
  s = sums_ref[...]
  inv = 1.0 / len_ref[...].astype(jnp.float32)
  rep = s * inv
  h = lax.dot_general(rep, w1_ref[...], (((1,), (1,)), ((), ())),
                      preferred_element_type=jnp.float32)
  h = jnp.maximum(h + b1_ref[...], 0.0)
  o = lax.dot_general(h, w2_ref[...], (((1,), (1,)), ((), ())),
                      preferred_element_type=jnp.float32)
  out_ref[...] = o + b2_ref[...]


def _tc_mlp(sums, lengths2, W1, b1, W2, b2):
  return pl.pallas_call(
      _mlp_body,
      out_shape=jax.ShapeDtypeStruct((BATCH, OUT), jnp.float32),
  )(sums, lengths2, W1, b1.reshape(1, HIDDEN), W2, b2.reshape(1, OUT))


def kernel(x, lengths, table, W1, b1, W2, b2):
  xt = x.reshape(NW, ROWS_PER_W, SEQ).transpose(0, 2, 1)
  sums = _sc_gather_sum(xt, table)
  return _tc_mlp(sums, lengths.reshape(BATCH, 1), W1, b1, W2, b2)

# --- scband reference (transcript-rebuilt; emitter-appended) ---
"""Pipeline reference for scband-baseline-dnn-16398185136269 (READ-ONLY COPY).

The authoritative reference and input builder live on the scoring server;
editing this copy changes nothing except your own understanding.
"""

import jax, jax.numpy as jnp
import numpy as np

VOCAB = 100000
EMB = 128
BATCH = 4096
SEQ = 50
HIDDEN = 64
OUT = 10


def setup_inputs(seed: int = 0) -> dict:
    key = jax.random.key(seed)
    k1, k2, k3, k4, k5 = jax.random.split(key, 5)
    x = jax.random.randint(k1, (BATCH, SEQ), 0, VOCAB, dtype=jnp.int64 if jax.config.jax_enable_x64 else jnp.int32).astype(jnp.int32)
    # lengths must be >= 1 (they are used as divisors)
    lengths = jax.random.randint(k2, (BATCH,), 1, SEQ, dtype=jnp.int32)
    table = jax.random.normal(k3, (VOCAB, EMB), dtype=jnp.float32) * 0.02
    W1 = jax.random.normal(k4, (HIDDEN, EMB), dtype=jnp.float32) * 0.05
    b1 = jnp.zeros((HIDDEN,), dtype=jnp.float32)
    W2 = jax.random.normal(k5, (OUT, HIDDEN), dtype=jnp.float32) * 0.05
    b2 = jnp.zeros((OUT,), dtype=jnp.float32)
    return {"x": x, "lengths": lengths, "table": table, "W1": W1, "b1": b1, "W2": W2, "b2": b2}


def reference(x, lengths, table, W1, b1, W2, b2):
    # Embedding lookup (gather)
    emb = jnp.take(table, x, axis=0)  # [B, S, E]
    # Faithful to the torch loop: sum over the FULL padded sequence, divide by length
    representations = jnp.sum(emb, axis=1) / lengths[:, None].astype(jnp.float32)  # [B, E]
    h = jax.nn.relu(representations @ W1.T + b1)  # [B, H]
    logits = h @ W2.T + b2  # [B, OUT]
    return logits

if __name__ == "__main__":
    import jax
    _d = setup_inputs()
    print(jax.jit(kernel)(*tuple(_d.values())))

</pallas_src>

<mosaic_0001>
#map = affine_map<(d0, d1) -> (0, 0, 0)>
#map1 = affine_map<(d0, d1) -> (0, 0)>
module attributes {stable_mosaic.version = 14 : i64} {
  func.func @_sc_body(%arg0: i32, %arg1: i32, %arg2: memref<32x50x128xi32, #tpu.memory_space<hbm>>, %arg3: memref<100000x128xf32, #tpu.memory_space<hbm>>, %arg4: memref<4096x128xf32, #tpu.memory_space<hbm>>, %arg5: memref<50x128xi32, #tpu.memory_space<vmem>>, %arg6: memref<128x128xf32, #tpu.memory_space<vmem>>, %arg7: memref<!tpu.dma_semaphore, #tpu.memory_space<semaphore_mem>>, %arg8: memref<!tpu.dma_semaphore, #tpu.memory_space<semaphore_mem>>) attributes {dimension_semantics = [#tpu.dimension_semantics<core_parallel>, #tpu.dimension_semantics<subcore_parallel>], iteration_bounds = array<i64: 2, 16>, scalar_prefetch = 0 : i64, scratch_operands = 4 : i64, tpu.core_type = #tpu.core_type<sc_vector_subcore>, window_params = [{transform_indices = #map}, {transform_indices = #map1}, {transform_indices = #map1}]} {
    %mul3A = arith.constant 2 : i32
    %mul3A_0 = arith.muli %arg1, %mul3A : i32
    %add3A = arith.addi %mul3A_0, %arg0 : i32
    %mul3A_1 = arith.constant 128 : i32
    %mul3A_2 = arith.muli %add3A, %mul3A_1 : i32
    %dma_start3A = arith.constant 0 : i32
    %dma_start3A_3 = arith.constant 0 : i32
    %dma_start3A_4 = tpu.memref_slice %arg2[%add3A, %dma_start3A, %dma_start3A_3] : memref<32x50x128xi32, #tpu.memory_space<hbm>> -> memref<1x50x128xi32, #tpu.memory_space<hbm>>
    %dma_start3A_5 = tpu.memref_squeeze %dma_start3A_4 : memref<1x50x128xi32, #tpu.memory_space<hbm>> -> memref<50x128xi32, #tpu.memory_space<hbm>>
    %dma_start3A_6 = arith.constant 0 : i32
    %dma_start3A_7 = arith.constant 0 : i32
    %dma_start3A_8 = tpu.memref_slice %arg2[%add3A, %dma_start3A_6, %dma_start3A_7] : memref<32x50x128xi32, #tpu.memory_space<hbm>> -> memref<1x50x128xi32, #tpu.memory_space<hbm>>
    %dma_start3A_9 = tpu.memref_squeeze %dma_start3A_8 : memref<1x50x128xi32, #tpu.memory_space<hbm>> -> memref<50x128xi32, #tpu.memory_space<hbm>>
    tpu.enqueue_dma source(%dma_start3A_9 : memref<50x128xi32, #tpu.memory_space<hbm>>) target(%arg5 : memref<50x128xi32, #tpu.memory_space<vmem>>) target_semaphore(%arg7 : memref<!tpu.dma_semaphore, #tpu.memory_space<semaphore_mem>>)
    %broadcast_in_dim3A = arith.constant 0.000000e+00 : f32
    %broadcast_in_dim3A_10 = vector.broadcast %broadcast_in_dim3A : f32 to vector<16xf32>
    %scan3A = arith.constant 0 : i32
    %scan3A_11 = arith.constant 0 : i32
    %scan3A_12 = arith.constant 128 : i32
    %scan3A_13 = arith.addi %scan3A_11, %scan3A_12 : i32
    %scan3A_14 = arith.constant 1 : i32
    %scan3A_15 = scf.for %scan3A_38 = %scan3A_11 to %scan3A_13 step %scan3A_14 iter_args(%scan3A_39 = %scan3A) -> (i32)  : i32 {
      %swap3A = arith.index_cast %scan3A_38 : i32 to index
      %swap3A_40 = arith.constant 0 : index
      %swap3A_41 = tpu.vector_load %arg6[%swap3A, %swap3A_40] {strides = array<i32>} : memref<128x128xf32, #tpu.memory_space<vmem>>, vector<1x16xf32>,
      %swap3A_42 = vector.shape_cast %swap3A_41 : vector<1x16xf32> to vector<16xf32>
      %swap3A_43 = vector.shape_cast %broadcast_in_dim3A_10 : vector<16xf32> to vector<1x16xf32>
      tpu.vector_store %arg6[%swap3A, %swap3A_40], %swap3A_43 {strides = array<i32>} : memref<128x128xf32, #tpu.memory_space<vmem>>, vector<1x16xf32>,
      %swap3A_44 = arith.index_cast %scan3A_38 : i32 to index
      %swap3A_45 = arith.constant 16 : index
      %swap3A_46 = tpu.vector_load %arg6[%swap3A_44, %swap3A_45] {strides = array<i32>} : memref<128x128xf32, #tpu.memory_space<vmem>>, vector<1x16xf32>,
      %swap3A_47 = vector.shape_cast %swap3A_46 : vector<1x16xf32> to vector<16xf32>
      %swap3A_48 = vector.shape_cast %broadcast_in_dim3A_10 : vector<16xf32> to vector<1x16xf32>
      tpu.vector_store %arg6[%swap3A_44, %swap3A_45], %swap3A_48 {strides = array<i32>} : memref<128x128xf32, #tpu.memory_space<vmem>>, vector<1x16xf32>,
      %swap3A_49 = arith.index_cast %scan3A_38 : i32 to index
      %swap3A_50 = arith.constant 32 : index
      %swap3A_51 = tpu.vector_load %arg6[%swap3A_49, %swap3A_50] {strides = array<i32>} : memref<128x128xf32, #tpu.memory_space<vmem>>, vector<1x16xf32>,
      %swap3A_52 = vector.shape_cast %swap3A_51 : vector<1x16xf32> to vector<16xf32>
      %swap3A_53 = vector.shape_cast %broadcast_in_dim3A_10 : vector<16xf32> to vector<1x16xf32>
      tpu.vector_store %arg6[%swap3A_49, %swap3A_50], %swap3A_53 {strides = array<i32>} : memref<128x128xf32, #tpu.memory_space<vmem>>, vector<1x16xf32>,
      %swap3A_54 = arith.index_cast %scan3A_38 : i32 to index
      %swap3A_55 = arith.constant 48 : index
      %swap3A_56 = tpu.vector_load %arg6[%swap3A_54, %swap3A_55] {strides = array<i32>} : memref<128x128xf32, #tpu.memory_space<vmem>>, vector<1x16xf32>,
      %swap3A_57 = vector.shape_cast %swap3A_56 : vector<1x16xf32> to vector<16xf32>
      %swap3A_58 = vector.shape_cast %broadcast_in_dim3A_10 : vector<16xf32> to vector<1x16xf32>
      tpu.vector_store %arg6[%swap3A_54, %swap3A_55], %swap3A_58 {strides = array<i32>} : memref<128x128xf32, #tpu.memory_space<vmem>>, vector<1x16xf32>,
      %swap3A_59 = arith.index_cast %scan3A_38 : i32 to index
      %swap3A_60 = arith.constant 64 : index
      %swap3A_61 = tpu.vector_load %arg6[%swap3A_59, %swap3A_60] {strides = array<i32>} : memref<128x128xf32, #tpu.memory_space<vmem>>, vector<1x16xf32>,
      %swap3A_62 = vector.shape_cast %swap3A_61 : vector<1x16xf32> to vector<16xf32>
      %swap3A_63 = vector.shape_cast %broadcast_in_dim3A_10 : vector<16xf32> to vector<1x16xf32>
      tpu.vector_store %arg6[%swap3A_59, %swap3A_60], %swap3A_63 {strides = array<i32>} : memref<128x128xf32, #tpu.memory_space<vmem>>, vector<1x16xf32>,
      %swap3A_64 = arith.index_cast %scan3A_38 : i32 to index
      %swap3A_65 = arith.constant 80 : index
      %swap3A_66 = tpu.vector_load %arg6[%swap3A_64, %swap3A_65] {strides = array<i32>} : memref<128x128xf32, #tpu.memory_space<vmem>>, vector<1x16xf32>,
      %swap3A_67 = vector.shape_cast %swap3A_66 : vector<1x16xf32> to vector<16xf32>
      %swap3A_68 = vector.shape_cast %broadcast_in_dim3A_10 : vector<16xf32> to vector<1x16xf32>
      tpu.vector_store %arg6[%swap3A_64, %swap3A_65], %swap3A_68 {strides = array<i32>} : memref<128x128xf32, #tpu.memory_space<vmem>>, vector<1x16xf32>,
      %swap3A_69 = arith.index_cast %scan3A_38 : i32 to index
      %swap3A_70 = arith.constant 96 : index
      %swap3A_71 = tpu.vector_load %arg6[%swap3A_69, %swap3A_70] {strides = array<i32>} : memref<128x128xf32, #tpu.memory_space<vmem>>, vector<1x16xf32>,
      %swap3A_72 = vector.shape_cast %swap3A_71 : vector<1x16xf32> to vector<16xf32>
      %swap3A_73 = vector.shape_cast %broadcast_in_dim3A_10 : vector<16xf32> to vector<1x16xf32>
      tpu.vector_store %arg6[%swap3A_69, %swap3A_70], %swap3A_73 {strides = array<i32>} : memref<128x128xf32, #tpu.memory_space<vmem>>, vector<1x16xf32>,
      %swap3A_74 = arith.index_cast %scan3A_38 : i32 to index
      %swap3A_75 = arith.constant 112 : index
      %swap3A_76 = tpu.vector_load %arg6[%swap3A_74, %swap3A_75] {strides = array<i32>} : memref<128x128xf32, #tpu.memory_space<vmem>>, vector<1x16xf32>,
      %swap3A_77 = vector.shape_cast %swap3A_76 : vector<1x16xf32> to vector<16xf32>
      %swap3A_78 = vector.shape_cast %broadcast_in_dim3A_10 : vector<16xf32> to vector<1x16xf32>
      tpu.vector_store %arg6[%swap3A_74, %swap3A_75], %swap3A_78 {strides = array<i32>} : memref<128x128xf32, #tpu.memory_space<vmem>>, vector<1x16xf32>,
      %scan3A_79 = arith.constant 0 : i32
      scf.yield %scan3A_79 : i32
    }
    %scan3A_16 = arith.constant 128 : i32
    %dma_wait3A = arith.constant 0 : i32
    %dma_wait3A_17 = arith.constant 0 : i32
    %dma_wait3A_18 = tpu.memref_slice %arg2[%add3A, %dma_wait3A, %dma_wait3A_17] : memref<32x50x128xi32, #tpu.memory_space<hbm>> -> memref<1x50x128xi32, #tpu.memory_space<hbm>>
    %dma_wait3A_19 = tpu.memref_squeeze %dma_wait3A_18 : memref<1x50x128xi32, #tpu.memory_space<hbm>> -> memref<50x128xi32, #tpu.memory_space<hbm>>
    %dma_wait3A_20 = arith.constant 0 : i32
    %dma_wait3A_21 = arith.constant 0 : i32
    %dma_wait3A_22 = tpu.memref_slice %arg2[%add3A, %dma_wait3A_20, %dma_wait3A_21] : memref<32x50x128xi32, #tpu.memory_space<hbm>> -> memref<1x50x128xi32, #tpu.memory_space<hbm>>
    %dma_wait3A_23 = tpu.memref_squeeze %dma_wait3A_22 : memref<1x50x128xi32, #tpu.memory_space<hbm>> -> memref<50x128xi32, #tpu.memory_space<hbm>>
    tpu.wait_dma2 semaphore(%arg7 : memref<!tpu.dma_semaphore, #tpu.memory_space<semaphore_mem>>) src(%dma_wait3A_23 : memref<50x128xi32, #tpu.memory_space<hbm>>) dst(%arg5 : memref<50x128xi32, #tpu.memory_space<vmem>>)
    %scan3A_24 = arith.constant 0 : i32
    %scan3A_25 = arith.constant 0 : i32
    %scan3A_26 = arith.constant 50 : i32
    %scan3A_27 = arith.addi %scan3A_25, %scan3A_26 : i32
    %scan3A_28 = arith.constant 1 : i32
    %scan3A_29 = scf.for %scan3A_38 = %scan3A_25 to %scan3A_27 step %scan3A_28 iter_args(%scan3A_39 = %scan3A_24) -> (i32)  : i32 {
      %dma_start3A_40 = arith.constant 0 : i32
      %dma_start3A_41 = tpu.memref_slice %arg5[%scan3A_38, %dma_start3A_40] : memref<50x128xi32, #tpu.memory_space<vmem>> -> memref<1x128xi32, #tpu.memory_space<vmem>>
      %dma_start3A_42 = tpu.memref_squeeze %dma_start3A_41 : memref<1x128xi32, #tpu.memory_space<vmem>> -> memref<128xi32, #tpu.memory_space<vmem>>
      %dma_start3A_43 = arith.constant 0 : i32
      %dma_start3A_44 = arith.constant 0 : i32
      %dma_start3A_45 = tpu.memref_slice %arg3[%dma_start3A_43, %dma_start3A_44] : memref<100000x128xf32, #tpu.memory_space<hbm>> -> memref<100000x128xf32, #tpu.memory_space<hbm>>
      tpu.enqueue_indirect_dma source(%dma_start3A_45 : memref<100000x128xf32, #tpu.memory_space<hbm>>) target(%arg6 : memref<128x128xf32, #tpu.memory_space<vmem>>) offsets(%dma_start3A_42 : memref<128xi32, #tpu.memory_space<vmem>>) semaphore(%arg8 : memref<!tpu.dma_semaphore, #tpu.memory_space<semaphore_mem>>) {add = true}
      %scan3A_46 = arith.constant 0 : i32
      scf.yield %scan3A_46 : i32
    }
    %scan3A_30 = arith.constant 50 : i32
    %scan3A_31 = arith.constant 0 : i32
    %scan3A_32 = arith.constant 0 : i32
    %scan3A_33 = arith.constant 50 : i32
    %scan3A_34 = arith.addi %scan3A_32, %scan3A_33 : i32
    %scan3A_35 = arith.constant 1 : i32
    %scan3A_36 = scf.for %scan3A_38 = %scan3A_32 to %scan3A_34 step %scan3A_35 iter_args(%scan3A_39 = %scan3A_31) -> (i32)  : i32 {
      %dma_wait3A_40 = arith.constant 0 : i32
      %dma_wait3A_41 = arith.constant 0 : i32
      %dma_wait3A_42 = tpu.memref_slice %arg5[%dma_wait3A_40, %dma_wait3A_41] : memref<50x128xi32, #tpu.memory_space<vmem>> -> memref<1x128xi32, #tpu.memory_space<vmem>>
      %dma_wait3A_43 = tpu.memref_squeeze %dma_wait3A_42 : memref<1x128xi32, #tpu.memory_space<vmem>> -> memref<128xi32, #tpu.memory_space<vmem>>
      %dma_wait3A_44 = arith.constant 0 : i32
      %dma_wait3A_45 = arith.constant 0 : i32
      %dma_wait3A_46 = tpu.memref_slice %arg3[%dma_wait3A_44, %dma_wait3A_45] : memref<100000x128xf32, #tpu.memory_space<hbm>> -> memref<100000x128xf32, #tpu.memory_space<hbm>>
      tpu.wait_indirect_dma semaphore(%arg8 : memref<!tpu.dma_semaphore, #tpu.memory_space<semaphore_mem>>) src(%dma_wait3A_46 : memref<100000x128xf32, #tpu.memory_space<hbm>>) dst(%arg6 : memref<128x128xf32, #tpu.memory_space<vmem>>)
      %scan3A_47 = arith.constant 0 : i32
      scf.yield %scan3A_47 : i32
    }
    %scan3A_37 = arith.constant 50 : i32
    "tpu.region"() ({
      %run_scoped3A = tpu.sem_alloc : memref<!tpu.dma_semaphore, #tpu.memory_space<semaphore_mem>>
      %dma_start3A_38 = arith.constant 0 : i32
      %dma_start3A_39 = tpu.memref_slice %arg4[%mul3A_2, %dma_start3A_38] : memref<4096x128xf32, #tpu.memory_space<hbm>> -> memref<128x128xf32, #tpu.memory_space<hbm>>
      %dma_start3A_40 = arith.constant 0 : i32
      %dma_start3A_41 = tpu.memref_slice %arg4[%mul3A_2, %dma_start3A_40] : memref<4096x128xf32, #tpu.memory_space<hbm>> -> memref<128x128xf32, #tpu.memory_space<hbm>>
      tpu.enqueue_dma source(%arg6 : memref<128x128xf32, #tpu.memory_space<vmem>>) target(%dma_start3A_41 : memref<128x128xf32, #tpu.memory_space<hbm>>) target_semaphore(%run_scoped3A : memref<!tpu.dma_semaphore, #tpu.memory_space<semaphore_mem>>)
      %dma_wait3A_42 = arith.constant 0 : i32
      %dma_wait3A_43 = tpu.memref_slice %arg4[%mul3A_2, %dma_wait3A_42] : memref<4096x128xf32, #tpu.memory_space<hbm>> -> memref<128x128xf32, #tpu.memory_space<hbm>>
      %dma_wait3A_44 = arith.constant 0 : i32
      %dma_wait3A_45 = tpu.memref_slice %arg4[%mul3A_2, %dma_wait3A_44] : memref<4096x128xf32, #tpu.memory_space<hbm>> -> memref<128x128xf32, #tpu.memory_space<hbm>>
      tpu.wait_dma2 semaphore(%run_scoped3A : memref<!tpu.dma_semaphore, #tpu.memory_space<semaphore_mem>>) src(%arg6 : memref<128x128xf32, #tpu.memory_space<vmem>>) dst(%dma_wait3A_45 : memref<128x128xf32, #tpu.memory_space<hbm>>)
      tpu.yield
    }) : () -> ()
    return
  }
}

module attributes {stable_mosaic.version = 14 : i64} {
  func.func @_mlp_body(%arg0: memref<4096x128xf32, #tpu.memory_space<vmem>>, %arg1: memref<4096x1xi32, #tpu.memory_space<vmem>>, %arg2: memref<64x128xf32, #tpu.memory_space<vmem>>, %arg3: memref<1x64xf32, #tpu.memory_space<vmem>>, %arg4: memref<10x64xf32, #tpu.memory_space<vmem>>, %arg5: memref<1x10xf32, #tpu.memory_space<vmem>>, %arg6: memref<4096x10xf32, #tpu.memory_space<vmem>>) attributes {dimension_semantics = [], scalar_prefetch = 0 : i64, scratch_operands = 0 : i64, tpu.core_type = #tpu.core_type<tc>} {
    %get3A = arith.constant 0 : index
    %get3A_0 = arith.constant 0 : index
    %get3A_1 = vector.load %arg0[%get3A, %get3A_0] : memref<4096x128xf32, #tpu.memory_space<vmem>>, vector<4096x128xf32>
    %get3A_2 = arith.constant 0 : index
    %get3A_3 = arith.constant 0 : index
    %get3A_4 = vector.load %arg1[%get3A_2, %get3A_3] : memref<4096x1xi32, #tpu.memory_space<vmem>>, vector<4096x1xi32>
    %convert_element_type3A = arith.sitofp %get3A_4 : vector<4096x1xi32> to vector<4096x1xf32>
    %div3A = arith.constant 1.000000e+00 : f32
    %div3A_5 = vector.broadcast %div3A : f32 to vector<4096x1xf32>
    %div3A_6 = arith.divf %div3A_5, %convert_element_type3A : vector<4096x1xf32>
    %mul3A = vector.broadcast %div3A_6 : vector<4096x1xf32> to vector<4096x128xf32>
    %mul3A_7 = arith.mulf %get3A_1, %mul3A : vector<4096x128xf32>
    %get3A_8 = arith.constant 0 : index
    %get3A_9 = arith.constant 0 : index
    %get3A_10 = vector.load %arg2[%get3A_8, %get3A_9] : memref<64x128xf32, #tpu.memory_space<vmem>>, vector<64x128xf32>
    %dot_general3A = arith.constant dense<0.000000e+00> : vector<4096x64xf32>
    %dot_general3A_11 = tpu.matmul %mul3A_7, %get3A_10, %dot_general3A {dimension_numbers = #tpu.dot_dimension_numbers<[1], [1], [0], [0], [0, 0, 1, 0], [], []>, transpose_lhs_hint = false} : vector<4096x128xf32>, vector<64x128xf32>, vector<4096x64xf32> -> vector<4096x64xf32>
    %get3A_12 = arith.constant 0 : index
    %get3A_13 = arith.constant 0 : index
    %get3A_14 = vector.load %arg3[%get3A_12, %get3A_13] : memref<1x64xf32, #tpu.memory_space<vmem>>, vector<1x64xf32>
    %add3A = vector.broadcast %get3A_14 : vector<1x64xf32> to vector<4096x64xf32>
    %add3A_15 = arith.addf %dot_general3A_11, %add3A : vector<4096x64xf32>
    %max3A = arith.constant 0.000000e+00 : f32
    %max3A_16 = vector.broadcast %max3A : f32 to vector<4096x64xf32>
    %max3A_17 = arith.maximumf %add3A_15, %max3A_16 : vector<4096x64xf32>
    %get3A_18 = arith.constant 0 : index
    %get3A_19 = arith.constant 0 : index
    %get3A_20 = vector.load %arg4[%get3A_18, %get3A_19] : memref<10x64xf32, #tpu.memory_space<vmem>>, vector<10x64xf32>
    %dot_general3A_21 = arith.constant dense<0.000000e+00> : vector<4096x10xf32>
    %dot_general3A_22 = tpu.matmul %max3A_17, %get3A_20, %dot_general3A_21 {dimension_numbers = #tpu.dot_dimension_numbers<[1], [1], [0], [0], [0, 0, 1, 0], [], []>, transpose_lhs_hint = false} : vector<4096x64xf32>, vector<10x64xf32>, vector<4096x10xf32> -> vector<4096x10xf32>
    %get3A_23 = arith.constant 0 : index
    %get3A_24 = arith.constant 0 : index
    %get3A_25 = vector.load %arg5[%get3A_23, %get3A_24] : memref<1x10xf32, #tpu.memory_space<vmem>>, vector<1x10xf32>
    %add3A_26 = vector.broadcast %get3A_25 : vector<1x10xf32> to vector<4096x10xf32>
    %add3A_27 = arith.addf %dot_general3A_22, %add3A_26 : vector<4096x10xf32>
    %swap3A = arith.constant 0 : index
    %swap3A_28 = arith.constant 0 : index
    %swap3A_29 = vector.load %arg6[%swap3A, %swap3A_28] : memref<4096x10xf32, #tpu.memory_space<vmem>>, vector<4096x10xf32>
    tpu.vector_store %arg6[%swap3A, %swap3A_28], %add3A_27 {strides = array<i32>} : memref<4096x10xf32, #tpu.memory_space<vmem>>, vector<4096x10xf32>,
    return
  }
}

</mosaic_0001>

<sc_bundles>
// kernel: kernel.4.cloned.1.call-start
scs
__scs_entry_jumppad:
0x0: {  	(pc) =	sbr.rel $0x88, $3  }
0x1: {  	(tag) =	ssettag $0x0;
	lr =	simm.s32 $0x1  }
0x2: {  	[smem:$0x3F9A] =	sst lr;
	_ =	strace $0xD0000000  }
0x3: {  	_ = 	snop  }
0x4: {  	_ = 	snop  }
0x5: {  	_ = 	snop  }
0x6: {  	_ = 	snop  }
0x7: {  	_ = 	snop  }
__scs_overlays_trampoline_lowered:
0x8: {  	[smem:$0x3FA9] =	sst s0  }
0x9: {  	[smem:$0x3FAA] =	sst s1  }
0xa: {  	[smem:$0x3FAB] =	sst s2  }
0xb: {  	[smem:$0x3FAC] =	sst s3  }
0xc: {  	[smem:$0x3FAD] =	sst s4  }
0xd: {  	[smem:$0x3FAE] =	sst s5  }
0xe: {  	[smem:$0x3FAF] =	sst s6  }
0xf: {  	[smem:$0x3FB0] =	sst s7  }
0x10: {  	[smem:$0x3FB1] =	sst s8  }
0x11: {  	[smem:$0x3FB2] =	sst s9;
	s0 =	simm.s32 @!p0 $0x0  }
0x12: {  	s1 =	sld [smem:$0x3F98];
	s0 =	simm.s32 @p0 $0x1  }
0x13: {  	[smem:$0x3FB3] =	sst s0;
	s0 =	simm.s32 @!p1 $0x0  }
0x14: {  	s2 =	sld [smem:$0x3F97];
	s0 =	simm.s32 @p1 $0x1  }
0x15: {  	[smem:$0x3FB4] =	sst s0;
	s0 =	simm.s32 @!p2 $0x0  }
0x16: {  	s3 =	sld [smem:$0x3FDB];
	s0 =	simm.s32 @p2 $0x1  }
0x17: {  	s4 =	simm.s32 $0x1BF5;
	[smem:$0x3FB6] =	sst s0  }
0x18: {  	s0 =	sld [smem:$0x3F99];
	_ =	swait.ge [sflag:s4], $0x0  }
0x19: {  	s7 =	sld [smem:$0x3F9A]  }
0x1a: {  	s8 =	sadd.s32 $0xFFFFE003, lr  }
0x1b: {  	s9 =	sadd.s32 $0xFFFFFEF7, lr;
	s5 =	simm.s32 $0xFFFFFFFF;
	p2 =	slt.u32 s8, $0xFFFFF086  }
0x1c: {  	p1 =	slt.u32 s9, $0xF7A;
	s5 =	simm.s32 @!p2 $0x0  }
0x1d: {  	s5 =	simm.s32 @p1 $0x1;
	p0 =	seq.s32 s7, s2  }
0x1e: {  	s7 =	smul.u32 @!p0 $0xF7A, s2;
	p2 =	seq.s32 @!p0 s5, $0x0  }
0x1f: {  	s9 =	smul.u32 $0xF7A, s1;
	s8 =	simm.s32 @!p0 $0x1BF5;
	p2 =	por !p2, p0  }
0x20: {  	[sflag:s8] =	ssyncset.s32 @!p0 $0xFFFFF086;
	s6 =	sadd.s32 @!p0 s3, s7;
	s7 =	simm.s32 @!p0 $0x108  }
0x21: {  	s3 =	sadd.s32 s3, s9;
	s6 =	sadd.s32 @!p0 $0x88, s6;
	s7 =	simm.s32 @p2 $0x1082  }
0x22: {  	[simem:s7], [sflag:s8] =	dma.local @!p0 [hbm:s6], $0xF7A  }
0x23: {  	s9 =	sor.u32 $0xD0000000, s2;
	s6 =	simm.s32 $0x108;
	_ =	swait.ge @!p0 [sflag:s8], $0x0  }
0x24: {  	s3 =	sadd.s32 $0x88, s3;
	s6 =	simm.s32 @!p1 $0x1082;
	[sflag:s4] =	ssyncset.s32 $0xFFFFF086  }
0x25: {  	[simem:s6], [sflag:s4] =	dma.local [hbm:s3], $0xF7A  }
0x26: {  	[smem:$0x3F9A] =	sst s1;
	(tag) =	ssettag s2;
	_ =	strace s9  }
0x27: {  	s1 =	sld [smem:$0x3FAA]  }
0x28: {  	s2 =	sld [smem:$0x3FAB]  }
0x29: {  	s4 =	sld [smem:$0x3FAD]  }
0x2a: {  	p0 =	seq.s32 s5, $0x0;
	s5 =	sld [smem:$0x3FAE]  }
0x2b: {  	s6 =	sld [smem:$0x3FAF]  }
0x2c: {  	s7 =	sld [smem:$0x3FB0]  }
0x2d: {  	s3 =	simm.s32 $0x108;
	s8 =	sld [smem:$0x3FB1]  }
0x2e: {  	s3 =	simm.s32 @!p0 $0x1082;
	s9 =	sld [smem:$0x3FB2]  }
0x2f: {  	lr =	sadd.s32 s0, s3;
	s0 =	sld [smem:$0x3FA9]  }
0x30: {  	s3 =	sld [smem:$0x3FAC]  }
0x31: {  	[smem:$0x3FB5] =	sst s10  }
0x32: {  	s10 =	sld [smem:$0x3FB3];
	_ =	sdelay $0x3  }
0x33: {  	p0 =	seq.s32 s10, $0x1;
	s10 =	sld [smem:$0x3FB5];
	_ =	sdelay $0x3  }
0x34: {  	[smem:$0x3FB5] =	sst s10  }
0x35: {  	s10 =	sld [smem:$0x3FB4];
	_ =	sdelay $0x3  }
0x36: {  	p1 =	seq.s32 s10, $0x1;
	s10 =	sld [smem:$0x3FB5];
	_ =	sdelay $0x3  }
0x37: {  	[smem:$0x3FB5] =	sst s10  }
0x38: {  	s10 =	sld [smem:$0x3FB6]  }
0x39: {  	_ = 	snop;
	(pc) =	sbr.ind lr, $3  }
0x3a: {  	_ = 	snop  }
0x3b: {  	_ = 	snop  }
0x3c: {  	p2 =	seq.s32 s10, $0x1;
	s10 =	sld [smem:$0x3FB5]  }
0x3d: {  	_ =	shalt  }
0x3e: {  	_ =	shalt  }
0x3f: {  	_ =	shalt  }
0x40: {  	_ =	shalt  }
0x41: {  	_ =	shalt  }
0x42: {  	_ =	shalt  }
0x43: {  	_ =	shalt  }
0x44: {  	_ =	shalt  }
0x45: {  	_ =	shalt  }
0x46: {  	_ =	shalt  }
0x47: {  	_ =	shalt  }
0x48: {  	_ =	shalt  }
0x49: {  	_ =	shalt  }
0x4a: {  	_ =	shalt  }
0x4b: {  	_ =	shalt  }
0x4c: {  	_ =	shalt  }
0x4d: {  	_ =	shalt  }
0x4e: {  	_ =	shalt  }
0x4f: {  	_ =	shalt  }
0x50: {  	_ =	shalt  }
0x51: {  	_ =	shalt  }
0x52: {  	_ =	shalt  }
0x53: {  	_ =	shalt  }
0x54: {  	_ =	shalt  }
0x55: {  	_ =	shalt  }
0x56: {  	_ =	shalt  }
0x57: {  	_ =	shalt  }
0x58: {  	_ =	shalt  }
0x59: {  	_ =	shalt  }
0x5a: {  	_ =	shalt  }
0x5b: {  	_ =	shalt  }
0x5c: {  	_ =	shalt  }
0x5d: {  	_ =	shalt  }
0x5e: {  	_ =	shalt  }
0x5f: {  	_ =	shalt  }
0x60: {  	_ =	shalt  }
0x61: {  	_ =	shalt  }
0x62: {  	_ =	shalt  }
0x63: {  	_ =	shalt  }
0x64: {  	_ =	shalt  }
0x65: {  	_ =	shalt  }
0x66: {  	_ =	shalt  }
0x67: {  	_ =	shalt  }
0x68: {  	_ =	shalt  }
0x69: {  	_ =	shalt  }
0x6a: {  	_ =	shalt  }
0x6b: {  	_ =	shalt  }
0x6c: {  	_ =	shalt  }
0x6d: {  	_ =	shalt  }
0x6e: {  	_ =	shalt  }
0x6f: {  	_ =	shalt  }
0x70: {  	_ =	shalt  }
0x71: {  	_ =	shalt  }
0x72: {  	_ =	shalt  }
0x73: {  	_ =	shalt  }
0x74: {  	_ =	shalt  }
0x75: {  	_ =	shalt  }
0x76: {  	_ =	shalt  }
0x77: {  	_ =	shalt  }
0x78: {  	_ =	shalt  }
0x79: {  	_ =	shalt  }
0x7a: {  	_ =	shalt  }
0x7b: {  	_ =	shalt  }
0x7c: {  	_ =	shalt  }
0x7d: {  	_ =	shalt  }
0x7e: {  	_ =	shalt  }
0x7f: {  	_ =	shalt  }
0x80: {  	_ =	shalt  }
0x81: {  	_ =	shalt  }
0x82: {  	_ =	shalt  }
0x83: {  	_ =	shalt  }
0x84: {  	_ =	shalt  }
0x85: {  	_ =	shalt  }
0x86: {  	_ =	shalt  }
0x87: {  	_ =	shalt  }
.Lfunc_end0:
.L_simem_size_0:
called_computation_lowered:
.L_overlay_start_0:
0x88: {  	s2 =	sld [smem:$0x3FD9]  }
0x89: {  	s3 =	sld [smem:$0x3FFE];
	_ =	sdelay $0x1  }
0x8a: {  	s1 =	srdreg.scid  }
0x8b: {  	s0 =	sand.u32 $0x1, s1  }
0x8c: {  	s17 =	sshll.u32 s0, $0xA;
	s2 =	sadd.s32 s3, s2  }
0x8d: {  	s2 =	sadd.s32 s2, s17  }
0x8e: {  	[smem:$0x3FC1] =	sst s2  }
0x8f: {  	_ = 	snop  }
0x90: {  	s2 =	sld [smem:$0x3FC7];
	(tm) =	ssettm $0x1  }
0x91: {  	s18 =	sld [smem:$0x3FFB];
	_ =	sdelay $0x3  }
0x92: {  	_ =	strace s18  }
0x93: {  	s3 =	sld [smem:$0x3FFC];
	_ =	sdelay $0x3  }
0x94: {  	_ =	strace s3  }
0x95: {  	s3 =	sld [smem:$0x3FFD];
	_ =	sdelay $0x3  }
0x96: {  	_ =	strace s3  }
0x97: {  	_ =	strace $0x8FFFFFFF  }
0x98: {  	s19 =	sld [smem:$0x3FDB];
	_ =	sdelay $0x1  }
0x99: {  	s4 =	simm.s32 $_scs_section_size  }
0x9a: {  	s5 =	simm.s32 $_size__tile_overlayer_lowered;
	s6 =	simm.s32 $_tile_overlayer_lowered  }
0x9b: {  	s22 =	simm.s32 $0x1BFF;
	s21 =	sshll.u32 s6, $0x1;
	s3 =	sadd.s32 s4, s19  }
0x9c: {  	s7 =	simm.s32 $0x0;
	s20 =	sshll.u32 s5, $0x1;
	s5 =	sadd.s32 s21, s3  }
0x9d: {  	[timem:s7], [sflag:s22] =	dma.local [hbm:s5], s20  }
0x9e: {  	_ =	swait.ge [sflag:s22], s20  }
0x9f: {  	s4 =	ssub.s32 $0x0, s20;
	[sflag:s22] =	ssyncset.done $0x0  }
0xa0: {  	[sflag:s22] =	ssyncadd.s32 s4;
	_ =	sdelay $0x1  }
0xa1: {  	s23 =	simm.s32 $0x1B8B  }
0xa2: {  	_ =	swait.ge [sflag:s23], $0x1  }
0xa3: {  	[sflag:s23] =	ssyncset.done $0x0  }
0xa4: {  	s25 =	simm.s32 $0x1B8E;
	s24 =	sld [smem:$0x3FFE];
	[sflag:s23] =	ssyncadd.s32 $0xFFFFFFFF  }
0xa5: {  	s26 =	simm.s32 $execute0_lowered;
	[smem:$0x3FD2] =	sst s25  }
0xa6: {  	s5 =	sshll.u32 s26, $0x1;
	_ =	strace $0x80000046;
	[dreg:$0x1] =	wrdreg $0xFFFFFFFF  }
0xa7: {  	s28 =	simm.s32 $_size_execute0_lowered;
	s3 =	sadd.s32 s3, s5;
	[dreg:$0x0] =	wrdreg $0x0  }
0xa8: {  	s5 =	sshll.u32 s28, $0x1;
	[dreg:$0x2] =	wrdreg s3  }
0xa9: {  	[dreg:$0x3] =	wrdreg s5  }
0xaa: {  	[dreg:$0x4] =	wrdreg $0xC0  }
0xab: {  	_ =	task [dreg:s7], $0x5FFFF  }
0xac: {  	[dreg:$0x1] =	wrdreg $0xFFFFFFFF  }
0xad: {  	[dreg:$0x0] =	wrdreg $0x60  }
0xae: {  	[dreg:$0x2] =	wrdreg s24  }
0xaf: {  	[dreg:$0x3] =	wrdreg s2  }
0xb0: {  	[dreg:$0x4] =	wrdreg $0x9  }
0xb1: {  	_ =	task.clear_ibuf [dreg:s7], $0x5FFFF;
	_ =	strace $0x90000046  }
0xb2: {  	s29 =	simm.s32 $0x9;
	_ =	strace $0x80000048  }
0xb3: {  	_ =	swait.ge [sflag:s29], $0x1  }
0xb4: {  	[sflag:s29] =	ssyncadd.s32 $0xFFFFFFFF  }
0xb5: {  	_ =	strace $0x90000048  }
0xb6: {  	_ =	sfence  }
0xb7: {  	s30 =	sld [smem:$0x0];
	_ =	sdelay $0x2  }
0xb8: {  	s31 =	sshll.u32 s1, $0xD;
	s1 =	sshrl.u32 s1, $0x2  }
0xb9: {  	s3 =	sand.u32 $0x4000, s31;
	s1 =	sadd.s32 s1, s30  }
0xba: {  	s0 =	sor.u32 s3, s0;
	s1 =	sshll.u32 s1, $0x11  }
0xbb: {  	s0 =	sor.u32 s1, s0  }
0xbc: {  	s0 =	sadd.s32 $0x8F2B, s0  }
0xbd: {  	[sflag:s0] =	ssyncadd.remote.s32 $0x1  }
0xbe: {  	_ =	sfence.sel $0xFFFF  }
0xbf: {  	[dreg:$0x0] =	wrdreg $0xFFFFFFFF;
	(pc) =	sbr.abs _section_cstart, $3  }
0xc0: {  	[dreg:$0x1] =	wrdreg $0xFFFFFFFF  }
0xc1: {  	_ =	task.clear_ibuf [dreg:s7], $0x2FFFF;
	_ =	strace $0x9FFFFFFF  }
0xc2: {  	(tm) =	ssettm $0x7FFFFFFF  }
0xc3: {  	_ =	shalt  }
tec
execute0_lowered:
.L_overlay_start_1:
0x0: {  	(tag) =	ssettag $0x1  }
0x1: {  	s4 =	rddreg [dreg:$0x0]  }
0x2: {  	s1 =	srdreg.scid;
	s0 =	stileid.u32  }
0x3: {  	s2 =	rddreg [dreg:$0x1];
	s3 =	simm.s32 $0x0;
	s9 =	simm.s32 $0x1C00  }
0x4: {  	s10 =	simm.s32 $0x2;
	s11 =	simm.s32 $0x3;
	s12 =	simm.s32 $0x0  }
0x5: {  	s5 =	sand.u32 $0x1, s1;
	s6 =	sshll.u32 s0, $0x1;
	s1 =	rddreg [dreg:$0x2]  }
0x6: {  	[smem:$0x7FF] =	sst s3;
	s6 =	sor.u32 s5, s6;
	s5 =	ssub.s32 $0x2, s5  }
0x7: {  	s7 =	smul.u32 $0x380, s6;
	s6 =	sshll.u32 s6, $0xB;
	s8 =	sshrl.u32 s5, $0x1  }
0x8: {  	_ =	strace $0x80000047;
	s6 =	sadd.s32 s6, s4;
	s8 =	ssub.s32 s5, s8  }
0x9: {  	s7 =	sadd.s32 s7, s4;
	s5 =	sadd.s32 $0x8000, s6;
	s6 =	smax.u32 s8, $0x1  }
0xa: {  	v0 =	vimm.f32 $0.0e+00;
	s8 =	simm.s32 $0x80;
	s4 =	sadd.s32 $0x1000, s7;
	s7 =	simm.s32 $0x1  }
.LBB2_1:
0xb: {  	[tilespmem:s3], [sflag:$0x1] =	stream.linear.gather [hbm4b:s4+s3], $0x1900, $0x38;
	[tilespmem:$0x5C00] =	vst v63  }
0xc: {  	s13 =	simm.s32 $0x0;
	s14 =	simm.s32 $0x200  }
.LBB2_2:
0xd: {  	p0 =	sne.s32 s14, $0xFE00;
	[tilespmem:s13+$0x1C70] =	vst v0  }
0xe: {  	[tilespmem:s13+$0x1C00] =	vst v0  }
0xf: {  	[tilespmem:s13+$0x1C10] =	vst v0  }
.Ltmp0:
0x10: {  	[tilespmem:s13+$0x1C20] =	vst v0;
	(pc) =	sbr.rel @p0 .LBB2_2-.Ltmp0, $4  }
0x11: {  	[tilespmem:s13+$0x1C30] =	vst v0  }
0x12: {  	[tilespmem:s13+$0x1C40] =	vst v0  }
0x13: {  	[tilespmem:s13+$0x1C50] =	vst v0  }
0x14: {  	[tilespmem:s13+$0x1C60] =	vst v0;
	s13 =	sshra.s32 s14, $0x2;
	s14 =	sadd.s32 $0x200, s14  }
0x15: {  	[tilespmem:s13+$0x1C70] =	vst v0  }
0x16: {  	[tilespmem:s13+$0x1C00] =	vst v0  }
0x17: {  	[tilespmem:s13+$0x1C10] =	vst v0  }
0x18: {  	[tilespmem:s13+$0x1C20] =	vst v0  }
0x19: {  	[tilespmem:s13+$0x1C30] =	vst v0  }
0x1a: {  	[tilespmem:s13+$0x1C40] =	vst v0  }
0x1b: {  	[tilespmem:s13+$0x1C50] =	vst v0  }
0x1c: {  	[tilespmem:s13+$0x1C60] =	vst v0  }
0x1d: {  	_ =	swait.ge [sflag:s7], $0x1900  }
0x1e: {  	[sflag:s7] =	ssyncset.done $0x0  }
0x1f: {  	s13 =	simm.s32 $0x0;
	[sflag:s7] =	ssyncadd.s32 $0xFFFFE700  }
.LBB2_4:
0x20: {  	p0 =	sne.s32 s13, $0x6200  }
.Ltmp1:
0x21: {  	_ = 	snop;
	(pc) =	sbr.rel @p0 .LBB2_4-.Ltmp1, $3  }
0x22: {  	_ =	sdelay $0x1  }
0x23: {  	s14 =	sshra.s32 s13, $0x2;
	s13 =	sadd.s32 $0x200, s13  }
0x24: {  	[tilespmem:s9], [sflag:$0x2] =	stream.indirect.gather.add.f32 [hbm:s2], $0x80, s14, s8, $0xb8;
	[tilespmem:$0x5C00] =	vst v63  }
0x25: {  	_ =	swait.ge [sflag:s10], $0x4000  }
0x26: {  	s13 =	simm.s32 $0x31;
	[sflag:s10] =	ssyncset.done $0x0  }
.LBB2_6:
0x27: {  	p0 =	sne.s32 s13, $0x1;
	s13 =	sadd.s32 $0xFFFFFFFF, s13;
	[sflag:s10] =	ssyncadd.s32 $0xFFFFC000  }
.Ltmp2:
0x28: {  	(pc) =	sbr.rel @p0 .LBB2_6-.Ltmp2, $3  }
0x29: {  	_ =	sdelay $0x1  }
0x2a: {  	_ =	swait.ge [sflag:s10], $0x4000  }
0x2b: {  	[sflag:s10] =	ssyncset.done $0x0  }
0x2c: {  	s12 =	sadd.s32 $0x1, s12  }
0x2d: {  	p0 =	sne.s32 s12, s6  }
.Ltmp3:
0x2e: {  	[sflag:s10] =	ssyncadd.s32 $0xFFFFC000;
	(pc) =	sbr.rel @p0 .LBB2_1-.Ltmp3, $4  }
0x2f: {  	[hbm4b:s5+s3] =	stream.linear.scatter [tilespmem:s9], [sflag:$0x3], $0x4000, $0x38;
	[tilespmem:$0x5C00] =	vst v63  }
0x30: {  	_ =	swait.ge [sflag:s11], $0x4000  }
0x31: {  	[sflag:s11] =	ssyncset.done $0x0  }
0x32: {  	[sflag:s11] =	ssyncadd.s32 $0xFFFFC000  }
0x33: {  	_ =	sfence.sel $0x180000  }
0x34: {  	[bflag:$0x0] =	sbarrier.arrive $0xFFFF  }
0x35: {  	p0 =	sne.s32 s0, $0x0;
	_ =	strace $0x90000047  }
0x36: {  	s0 =	sadd.s32 @!p0 $0x100000, s1;
	[bflag:$0x2] =	sbarrier.arrive $0xFFFF  }
0x37: {  	[sflag:s0] =	ssyncadd.tile.s32 @!p0 $0x1;
	_ =	shalt  }
.Lfunc_end2:
_tile_overlayer_lowered:
.L_overlay_start_2:
0x38: {  	(tag) =	ssettag $0x2  }
0x39: {  	s0 =	rddreg [dreg:$0x0];
	s2 =	stileid.u32  }
0x3a: {  	s1 =	rddreg [dreg:$0x1];
	p0 =	sne.s32 s2, $0x0  }
0x3b: {  	s3 =	rddreg [dreg:$0x2];
	[bflag:$0x3] =	sbarrier.arrive $0xFFFF;
	s2 =	simm.s32 @!p0 $0x1C03  }
0x3c: {  	[timem:s3], [sflag:s2] =	dma.local @!p0 [hbm:s0], s1  }
0x3d: {  	s0 =	simm.s32 @!p0 $0x3  }
0x3e: {  	_ =	swait.ge @!p0 [sflag:s0], s1  }
0x3f: {  	s1 =	ssub.s32 @!p0 $0x0, s1;
	[sflag:s0] =	ssyncset.done @!p0 $0x0  }
0x40: {  	[sflag:s0] =	ssyncadd.s32 @!p0 s1  }
0x41: {  	[bflag:$0x3] =	sbarrier.arrive $0xFFFF  }
0x42: {  	_ =	shalt  }

</sc_bundles>
